<compile_context>
chip_gen: v7x
topology: tpu7x:2x2x1
jax: 0.10.2.dev20260603
libtpu: 0.0.44.dev20260713+nightly
codegen_flags: <defaults>
</compile_context>

<pallas_src>
import functools

import jax
import jax.numpy as jnp
from jax import lax
from jax.experimental import pallas as pl
from jax.experimental.pallas import tpu as pltpu
from jax.experimental.pallas import tpu_sc as plsc

R = 128
C = 32768
B = 512
NW = 32
NCH = 16
CHW = 128
LP = CHW // 16

_mesh = plsc.VectorSubcoreMesh(core_axis_name="c", subcore_axis_name="s")


@functools.partial(
    pl.kernel,
    out_type=jax.ShapeDtypeStruct((NW * 16,), jnp.float32),
    mesh=_mesh,
    scratch_types=[
        pltpu.VMEM((NCH, CHW), jnp.int32),
        pltpu.VMEM((NCH, CHW), jnp.float32),
        pltpu.VMEM((NCH, CHW), jnp.float32),
        pltpu.VMEM((16,), jnp.float32),
        pltpu.SemaphoreType.DMA,
        pltpu.SemaphoreType.DMA,
    ],
)
def _l1_gather_kernel(out_flat, indb, tgtb, parts, ind_v, tgt_v,
                      gath_v, acc_v, insem, gsem):
    wid = lax.axis_index("s") * 2 + lax.axis_index("c")

    cp_tgt = pltpu.make_async_copy(tgtb.at[wid], tgt_v, insem)
    cp_tgt.start()
    pltpu.sync_copy(indb.at[wid], ind_v)

    def fire_row(i, _):
        pltpu.make_async_copy(
            out_flat.at[ind_v.at[i]], gath_v.at[i], gsem).start()
        return 0

    lax.fori_loop(0, NCH, fire_row, 0, unroll=False)

    cp_tgt.wait()

    def wait_row(i, _):
        pltpu.make_async_copy(
            out_flat.at[ind_v.at[i]], gath_v.at[i], gsem).wait()
        return 0

    lax.fori_loop(0, NCH, wait_row, 0, unroll=False)

    def acc_row(i, accs):
        acc0, acc1 = accs
        for k in range(LP):
            g = gath_v[i, pl.ds(k * 16, 16)]
            t = tgt_v[i, pl.ds(k * 16, 16)]
            if k % 2 == 0:
                acc0 = acc0 + jnp.abs(g - t)
            else:
                acc1 = acc1 + jnp.abs(g - t)
        return acc0, acc1

    z = jnp.zeros((16,), jnp.float32)
    acc0, acc1 = lax.fori_loop(0, NCH, acc_row, (z, z), unroll=False)
    acc = acc0 + acc1

    acc_v[...] = acc
    pltpu.sync_copy(acc_v, parts.at[pl.ds(wid * 16, 16)])


def _tile_major_flat(x):
    r, c = x.shape
    return x.reshape(r // 8, 8, c // 128, 128).transpose(0, 2, 1, 3).reshape(-1)


def kernel(output, ind, target):
    out_flat = _tile_major_flat(output)
    indb = _tile_major_flat(ind.astype(jnp.int32)).reshape(NW, NCH, CHW)
    tgtb = _tile_major_flat(target).reshape(NW, NCH, CHW)
    wids = jnp.arange(NW, dtype=jnp.int32).reshape(NW, 1, 1)
    rows = jnp.arange(NCH, dtype=jnp.int32).reshape(1, NCH, 1)
    base = ((wids >> 1) << 18) + ((rows & 7) << 7)
    fidx = base + ((indb >> 7) << 10) + (indb & 127)
    parts = _l1_gather_kernel(out_flat, fidx, tgtb)
    return jnp.sum(parts)

# --- scband reference (transcript-rebuilt; emitter-appended) ---
"""Pipeline reference for scband-reg-l1-loss-2061584302466 (READ-ONLY COPY).

The authoritative reference and input builder live on the scoring server;
editing this copy changes nothing except your own understanding.
"""

import jax, jax.numpy as jnp
import numpy as np


def setup_inputs(seed: int = 0) -> dict:
    key = jax.random.key(seed)
    k1, k2, k3 = jax.random.split(key, 3)
    output = jax.random.normal(k1, (128, 32768), dtype=jnp.float32)
    ind = jax.random.randint(k2, (128, 512), 0, 32768, dtype=jnp.int64 if jax.config.jax_enable_x64 else jnp.int32)
    target = jax.random.normal(k3, (128, 512), dtype=jnp.float32)
    return {"output": output, "ind": ind, "target": target}


def reference(output, ind, target):
    # pred = output.gather(1, ind)  -> gather along dim 1 with per-row indices
    pred = jnp.take_along_axis(output, ind, axis=1)
    # F.l1_loss(pred, target, size_average=False) -> sum of absolute differences
    loss = jnp.sum(jnp.abs(pred - target))
    return loss

if __name__ == "__main__":
    import jax
    _d = setup_inputs()
    print(jax.jit(kernel)(*tuple(_d.values())))

</pallas_src>

<mosaic_0001>
#map = affine_map<(d0, d1) -> (0)>
#map1 = affine_map<(d0, d1) -> (0, 0, 0)>
module attributes {stable_mosaic.version = 14 : i64} {
  func.func @_l1_gather_kernel(%arg0: i32, %arg1: i32, %arg2: memref<4194304xf32, #tpu.memory_space<hbm>>, %arg3: memref<32x16x128xi32, #tpu.memory_space<hbm>>, %arg4: memref<32x16x128xf32, #tpu.memory_space<hbm>>, %arg5: memref<512xf32, #tpu.memory_space<hbm>>, %arg6: memref<16x128xi32, #tpu.memory_space<vmem>>, %arg7: memref<16x128xf32, #tpu.memory_space<vmem>>, %arg8: memref<16x128xf32, #tpu.memory_space<vmem>>, %arg9: memref<16xf32, #tpu.memory_space<vmem>>, %arg10: memref<!tpu.dma_semaphore, #tpu.memory_space<semaphore_mem>>, %arg11: memref<!tpu.dma_semaphore, #tpu.memory_space<semaphore_mem>>) attributes {dimension_semantics = [#tpu.dimension_semantics<core_parallel>, #tpu.dimension_semantics<subcore_parallel>], iteration_bounds = array<i64: 2, 16>, scalar_prefetch = 0 : i64, scratch_operands = 6 : i64, tpu.core_type = #tpu.core_type<sc_vector_subcore>, window_params = [{transform_indices = #map}, {transform_indices = #map1}, {transform_indices = #map1}, {transform_indices = #map}]} {
    %mul3A = arith.constant 2 : i32
    %mul3A_0 = arith.muli %arg1, %mul3A : i32
    %add3A = arith.addi %mul3A_0, %arg0 : i32
    %dma_start3A = arith.constant 0 : i32
    %dma_start3A_1 = arith.constant 0 : i32
    %dma_start3A_2 = tpu.memref_slice %arg4[%add3A, %dma_start3A, %dma_start3A_1] : memref<32x16x128xf32, #tpu.memory_space<hbm>> -> memref<1x16x128xf32, #tpu.memory_space<hbm>>
    %dma_start3A_3 = tpu.memref_squeeze %dma_start3A_2 : memref<1x16x128xf32, #tpu.memory_space<hbm>> -> memref<16x128xf32, #tpu.memory_space<hbm>>
    %dma_start3A_4 = arith.constant 0 : i32
    %dma_start3A_5 = arith.constant 0 : i32
    %dma_start3A_6 = tpu.memref_slice %arg4[%add3A, %dma_start3A_4, %dma_start3A_5] : memref<32x16x128xf32, #tpu.memory_space<hbm>> -> memref<1x16x128xf32, #tpu.memory_space<hbm>>
    %dma_start3A_7 = tpu.memref_squeeze %dma_start3A_6 : memref<1x16x128xf32, #tpu.memory_space<hbm>> -> memref<16x128xf32, #tpu.memory_space<hbm>>
    tpu.enqueue_dma source(%dma_start3A_7 : memref<16x128xf32, #tpu.memory_space<hbm>>) target(%arg7 : memref<16x128xf32, #tpu.memory_space<vmem>>) target_semaphore(%arg10 : memref<!tpu.dma_semaphore, #tpu.memory_space<semaphore_mem>>)
    "tpu.region"() ({
      %run_scoped3A = tpu.sem_alloc : memref<!tpu.dma_semaphore, #tpu.memory_space<semaphore_mem>>
      %dma_start3A_41 = arith.constant 0 : i32
      %dma_start3A_42 = arith.constant 0 : i32
      %dma_start3A_43 = tpu.memref_slice %arg3[%add3A, %dma_start3A_41, %dma_start3A_42] : memref<32x16x128xi32, #tpu.memory_space<hbm>> -> memref<1x16x128xi32, #tpu.memory_space<hbm>>
      %dma_start3A_44 = tpu.memref_squeeze %dma_start3A_43 : memref<1x16x128xi32, #tpu.memory_space<hbm>> -> memref<16x128xi32, #tpu.memory_space<hbm>>
      %dma_start3A_45 = arith.constant 0 : i32
      %dma_start3A_46 = arith.constant 0 : i32
      %dma_start3A_47 = tpu.memref_slice %arg3[%add3A, %dma_start3A_45, %dma_start3A_46] : memref<32x16x128xi32, #tpu.memory_space<hbm>> -> memref<1x16x128xi32, #tpu.memory_space<hbm>>
      %dma_start3A_48 = tpu.memref_squeeze %dma_start3A_47 : memref<1x16x128xi32, #tpu.memory_space<hbm>> -> memref<16x128xi32, #tpu.memory_space<hbm>>
      tpu.enqueue_dma source(%dma_start3A_48 : memref<16x128xi32, #tpu.memory_space<hbm>>) target(%arg6 : memref<16x128xi32, #tpu.memory_space<vmem>>) target_semaphore(%run_scoped3A : memref<!tpu.dma_semaphore, #tpu.memory_space<semaphore_mem>>)
      %dma_wait3A_49 = arith.constant 0 : i32
      %dma_wait3A_50 = arith.constant 0 : i32
      %dma_wait3A_51 = tpu.memref_slice %arg3[%add3A, %dma_wait3A_49, %dma_wait3A_50] : memref<32x16x128xi32, #tpu.memory_space<hbm>> -> memref<1x16x128xi32, #tpu.memory_space<hbm>>
      %dma_wait3A_52 = tpu.memref_squeeze %dma_wait3A_51 : memref<1x16x128xi32, #tpu.memory_space<hbm>> -> memref<16x128xi32, #tpu.memory_space<hbm>>
      %dma_wait3A_53 = arith.constant 0 : i32
      %dma_wait3A_54 = arith.constant 0 : i32
      %dma_wait3A_55 = tpu.memref_slice %arg3[%add3A, %dma_wait3A_53, %dma_wait3A_54] : memref<32x16x128xi32, #tpu.memory_space<hbm>> -> memref<1x16x128xi32, #tpu.memory_space<hbm>>
      %dma_wait3A_56 = tpu.memref_squeeze %dma_wait3A_55 : memref<1x16x128xi32, #tpu.memory_space<hbm>> -> memref<16x128xi32, #tpu.memory_space<hbm>>
      tpu.wait_dma2 semaphore(%run_scoped3A : memref<!tpu.dma_semaphore, #tpu.memory_space<semaphore_mem>>) src(%dma_wait3A_56 : memref<16x128xi32, #tpu.memory_space<hbm>>) dst(%arg6 : memref<16x128xi32, #tpu.memory_space<vmem>>)
      tpu.yield
    }) : () -> ()
    %scan3A = arith.constant 0 : i32
    %scan3A_8 = arith.constant 0 : i32
    %scan3A_9 = arith.constant 16 : i32
    %scan3A_10 = arith.addi %scan3A_8, %scan3A_9 : i32
    %scan3A_11 = arith.constant 1 : i32
    %scan3A_12 = scf.for %scan3A_41 = %scan3A_8 to %scan3A_10 step %scan3A_11 iter_args(%scan3A_42 = %scan3A) -> (i32)  : i32 {
      %dma_start3A_43 = arith.constant 0 : i32
      %dma_start3A_44 = tpu.memref_slice %arg8[%scan3A_41, %dma_start3A_43] : memref<16x128xf32, #tpu.memory_space<vmem>> -> memref<1x128xf32, #tpu.memory_space<vmem>>
      %dma_start3A_45 = tpu.memref_squeeze %dma_start3A_44 : memref<1x128xf32, #tpu.memory_space<vmem>> -> memref<128xf32, #tpu.memory_space<vmem>>
      %dma_start3A_46 = arith.constant 0 : i32
      %dma_start3A_47 = tpu.memref_slice %arg6[%scan3A_41, %dma_start3A_46] : memref<16x128xi32, #tpu.memory_space<vmem>> -> memref<1x128xi32, #tpu.memory_space<vmem>>
      %dma_start3A_48 = tpu.memref_squeeze %dma_start3A_47 : memref<1x128xi32, #tpu.memory_space<vmem>> -> memref<128xi32, #tpu.memory_space<vmem>>
      %dma_start3A_49 = arith.constant 0 : i32
      %dma_start3A_50 = tpu.memref_slice %arg2[%dma_start3A_49] : memref<4194304xf32, #tpu.memory_space<hbm>> -> memref<4194304xf32, #tpu.memory_space<hbm>>
      tpu.enqueue_indirect_dma source(%dma_start3A_50 : memref<4194304xf32, #tpu.memory_space<hbm>>) target(%dma_start3A_45 : memref<128xf32, #tpu.memory_space<vmem>>) offsets(%dma_start3A_48 : memref<128xi32, #tpu.memory_space<vmem>>) semaphore(%arg11 : memref<!tpu.dma_semaphore, #tpu.memory_space<semaphore_mem>>)
      %scan3A_51 = arith.constant 0 : i32
      scf.yield %scan3A_51 : i32
    }
    %scan3A_13 = arith.constant 16 : i32
    %dma_wait3A = arith.constant 0 : i32
    %dma_wait3A_14 = arith.constant 0 : i32
    %dma_wait3A_15 = tpu.memref_slice %arg4[%add3A, %dma_wait3A, %dma_wait3A_14] : memref<32x16x128xf32, #tpu.memory_space<hbm>> -> memref<1x16x128xf32, #tpu.memory_space<hbm>>
    %dma_wait3A_16 = tpu.memref_squeeze %dma_wait3A_15 : memref<1x16x128xf32, #tpu.memory_space<hbm>> -> memref<16x128xf32, #tpu.memory_space<hbm>>
    %dma_wait3A_17 = arith.constant 0 : i32
    %dma_wait3A_18 = arith.constant 0 : i32
    %dma_wait3A_19 = tpu.memref_slice %arg4[%add3A, %dma_wait3A_17, %dma_wait3A_18] : memref<32x16x128xf32, #tpu.memory_space<hbm>> -> memref<1x16x128xf32, #tpu.memory_space<hbm>>
    %dma_wait3A_20 = tpu.memref_squeeze %dma_wait3A_19 : memref<1x16x128xf32, #tpu.memory_space<hbm>> -> memref<16x128xf32, #tpu.memory_space<hbm>>
    tpu.wait_dma2 semaphore(%arg10 : memref<!tpu.dma_semaphore, #tpu.memory_space<semaphore_mem>>) src(%dma_wait3A_20 : memref<16x128xf32, #tpu.memory_space<hbm>>) dst(%arg7 : memref<16x128xf32, #tpu.memory_space<vmem>>)
    %scan3A_21 = arith.constant 0 : i32
    %scan3A_22 = arith.constant 0 : i32
    %scan3A_23 = arith.constant 16 : i32
    %scan3A_24 = arith.addi %scan3A_22, %scan3A_23 : i32
    %scan3A_25 = arith.constant 1 : i32
    %scan3A_26 = scf.for %scan3A_41 = %scan3A_22 to %scan3A_24 step %scan3A_25 iter_args(%scan3A_42 = %scan3A_21) -> (i32)  : i32 {
      %dma_wait3A_43 = arith.constant 0 : i32
      %dma_wait3A_44 = tpu.memref_slice %arg8[%scan3A_41, %dma_wait3A_43] : memref<16x128xf32, #tpu.memory_space<vmem>> -> memref<1x128xf32, #tpu.memory_space<vmem>>
      %dma_wait3A_45 = tpu.memref_squeeze %dma_wait3A_44 : memref<1x128xf32, #tpu.memory_space<vmem>> -> memref<128xf32, #tpu.memory_space<vmem>>
      %dma_wait3A_46 = arith.constant 0 : i32
      %dma_wait3A_47 = tpu.memref_slice %arg6[%scan3A_41, %dma_wait3A_46] : memref<16x128xi32, #tpu.memory_space<vmem>> -> memref<1x128xi32, #tpu.memory_space<vmem>>
      %dma_wait3A_48 = tpu.memref_squeeze %dma_wait3A_47 : memref<1x128xi32, #tpu.memory_space<vmem>> -> memref<128xi32, #tpu.memory_space<vmem>>
      %dma_wait3A_49 = arith.constant 0 : i32
      %dma_wait3A_50 = tpu.memref_slice %arg2[%dma_wait3A_49] : memref<4194304xf32, #tpu.memory_space<hbm>> -> memref<4194304xf32, #tpu.memory_space<hbm>>
      tpu.wait_indirect_dma semaphore(%arg11 : memref<!tpu.dma_semaphore, #tpu.memory_space<semaphore_mem>>) src(%dma_wait3A_50 : memref<4194304xf32, #tpu.memory_space<hbm>>) dst(%dma_wait3A_45 : memref<128xf32, #tpu.memory_space<vmem>>)
      %scan3A_51 = arith.constant 0 : i32
      scf.yield %scan3A_51 : i32
    }
    %scan3A_27 = arith.constant 16 : i32
    %broadcast_in_dim3A = arith.constant 0.000000e+00 : f32
    %broadcast_in_dim3A_28 = vector.broadcast %broadcast_in_dim3A : f32 to vector<16xf32>
    %scan3A_29 = arith.constant 0 : i32
    %scan3A_30 = arith.constant 16 : i32
    %scan3A_31 = arith.addi %scan3A_29, %scan3A_30 : i32
    %scan3A_32 = arith.constant 1 : i32
    %scan3A_33:2 = scf.for %scan3A_41 = %scan3A_29 to %scan3A_31 step %scan3A_32 iter_args(%scan3A_42 = %broadcast_in_dim3A_28, %scan3A_43 = %broadcast_in_dim3A_28) -> (vector<16xf32>, vector<16xf32>)  : i32 {
      %get3A = arith.index_cast %scan3A_41 : i32 to index
      %get3A_44 = arith.constant 0 : index
      %get3A_45 = tpu.vector_load %arg8[%get3A, %get3A_44] {strides = array<i32>} : memref<16x128xf32, #tpu.memory_space<vmem>>, vector<1x16xf32>,
      %get3A_46 = vector.shape_cast %get3A_45 : vector<1x16xf32> to vector<16xf32>
      %get3A_47 = arith.index_cast %scan3A_41 : i32 to index
      %get3A_48 = arith.constant 0 : index
      %get3A_49 = tpu.vector_load %arg7[%get3A_47, %get3A_48] {strides = array<i32>} : memref<16x128xf32, #tpu.memory_space<vmem>>, vector<1x16xf32>,
      %get3A_50 = vector.shape_cast %get3A_49 : vector<1x16xf32> to vector<16xf32>
      %sub3A = arith.subf %get3A_46, %get3A_50 : vector<16xf32>
      %abs3A = math.absf %sub3A : vector<16xf32>
      %add3A_51 = arith.addf %scan3A_42, %abs3A : vector<16xf32>
      %get3A_52 = arith.index_cast %scan3A_41 : i32 to index
      %get3A_53 = arith.constant 16 : index
      %get3A_54 = tpu.vector_load %arg8[%get3A_52, %get3A_53] {strides = array<i32>} : memref<16x128xf32, #tpu.memory_space<vmem>>, vector<1x16xf32>,
      %get3A_55 = vector.shape_cast %get3A_54 : vector<1x16xf32> to vector<16xf32>
      %get3A_56 = arith.index_cast %scan3A_41 : i32 to index
      %get3A_57 = arith.constant 16 : index
      %get3A_58 = tpu.vector_load %arg7[%get3A_56, %get3A_57] {strides = array<i32>} : memref<16x128xf32, #tpu.memory_space<vmem>>, vector<1x16xf32>,
      %get3A_59 = vector.shape_cast %get3A_58 : vector<1x16xf32> to vector<16xf32>
      %sub3A_60 = arith.subf %get3A_55, %get3A_59 : vector<16xf32>
      %abs3A_61 = math.absf %sub3A_60 : vector<16xf32>
      %add3A_62 = arith.addf %scan3A_43, %abs3A_61 : vector<16xf32>
      %get3A_63 = arith.index_cast %scan3A_41 : i32 to index
      %get3A_64 = arith.constant 32 : index
      %get3A_65 = tpu.vector_load %arg8[%get3A_63, %get3A_64] {strides = array<i32>} : memref<16x128xf32, #tpu.memory_space<vmem>>, vector<1x16xf32>,
      %get3A_66 = vector.shape_cast %get3A_65 : vector<1x16xf32> to vector<16xf32>
      %get3A_67 = arith.index_cast %scan3A_41 : i32 to index
      %get3A_68 = arith.constant 32 : index
      %get3A_69 = tpu.vector_load %arg7[%get3A_67, %get3A_68] {strides = array<i32>} : memref<16x128xf32, #tpu.memory_space<vmem>>, vector<1x16xf32>,
      %get3A_70 = vector.shape_cast %get3A_69 : vector<1x16xf32> to vector<16xf32>
      %sub3A_71 = arith.subf %get3A_66, %get3A_70 : vector<16xf32>
      %abs3A_72 = math.absf %sub3A_71 : vector<16xf32>
      %add3A_73 = arith.addf %add3A_51, %abs3A_72 : vector<16xf32>
      %get3A_74 = arith.index_cast %scan3A_41 : i32 to index
      %get3A_75 = arith.constant 48 : index
      %get3A_76 = tpu.vector_load %arg8[%get3A_74, %get3A_75] {strides = array<i32>} : memref<16x128xf32, #tpu.memory_space<vmem>>, vector<1x16xf32>,
      %get3A_77 = vector.shape_cast %get3A_76 : vector<1x16xf32> to vector<16xf32>
      %get3A_78 = arith.index_cast %scan3A_41 : i32 to index
      %get3A_79 = arith.constant 48 : index
      %get3A_80 = tpu.vector_load %arg7[%get3A_78, %get3A_79] {strides = array<i32>} : memref<16x128xf32, #tpu.memory_space<vmem>>, vector<1x16xf32>,
      %get3A_81 = vector.shape_cast %get3A_80 : vector<1x16xf32> to vector<16xf32>
      %sub3A_82 = arith.subf %get3A_77, %get3A_81 : vector<16xf32>
      %abs3A_83 = math.absf %sub3A_82 : vector<16xf32>
      %add3A_84 = arith.addf %add3A_62, %abs3A_83 : vector<16xf32>
      %get3A_85 = arith.index_cast %scan3A_41 : i32 to index
      %get3A_86 = arith.constant 64 : index
      %get3A_87 = tpu.vector_load %arg8[%get3A_85, %get3A_86] {strides = array<i32>} : memref<16x128xf32, #tpu.memory_space<vmem>>, vector<1x16xf32>,
      %get3A_88 = vector.shape_cast %get3A_87 : vector<1x16xf32> to vector<16xf32>
      %get3A_89 = arith.index_cast %scan3A_41 : i32 to index
      %get3A_90 = arith.constant 64 : index
      %get3A_91 = tpu.vector_load %arg7[%get3A_89, %get3A_90] {strides = array<i32>} : memref<16x128xf32, #tpu.memory_space<vmem>>, vector<1x16xf32>,
      %get3A_92 = vector.shape_cast %get3A_91 : vector<1x16xf32> to vector<16xf32>
      %sub3A_93 = arith.subf %get3A_88, %get3A_92 : vector<16xf32>
      %abs3A_94 = math.absf %sub3A_93 : vector<16xf32>
      %add3A_95 = arith.addf %add3A_73, %abs3A_94 : vector<16xf32>
      %get3A_96 = arith.index_cast %scan3A_41 : i32 to index
      %get3A_97 = arith.constant 80 : index
      %get3A_98 = tpu.vector_load %arg8[%get3A_96, %get3A_97] {strides = array<i32>} : memref<16x128xf32, #tpu.memory_space<vmem>>, vector<1x16xf32>,
      %get3A_99 = vector.shape_cast %get3A_98 : vector<1x16xf32> to vector<16xf32>
      %get3A_100 = arith.index_cast %scan3A_41 : i32 to index
      %get3A_101 = arith.constant 80 : index
      %get3A_102 = tpu.vector_load %arg7[%get3A_100, %get3A_101] {strides = array<i32>} : memref<16x128xf32, #tpu.memory_space<vmem>>, vector<1x16xf32>,
      %get3A_103 = vector.shape_cast %get3A_102 : vector<1x16xf32> to vector<16xf32>
      %sub3A_104 = arith.subf %get3A_99, %get3A_103 : vector<16xf32>
      %abs3A_105 = math.absf %sub3A_104 : vector<16xf32>
      %add3A_106 = arith.addf %add3A_84, %abs3A_105 : vector<16xf32>
      %get3A_107 = arith.index_cast %scan3A_41 : i32 to index
      %get3A_108 = arith.constant 96 : index
      %get3A_109 = tpu.vector_load %arg8[%get3A_107, %get3A_108] {strides = array<i32>} : memref<16x128xf32, #tpu.memory_space<vmem>>, vector<1x16xf32>,
      %get3A_110 = vector.shape_cast %get3A_109 : vector<1x16xf32> to vector<16xf32>
      %get3A_111 = arith.index_cast %scan3A_41 : i32 to index
      %get3A_112 = arith.constant 96 : index
      %get3A_113 = tpu.vector_load %arg7[%get3A_111, %get3A_112] {strides = array<i32>} : memref<16x128xf32, #tpu.memory_space<vmem>>, vector<1x16xf32>,
      %get3A_114 = vector.shape_cast %get3A_113 : vector<1x16xf32> to vector<16xf32>
      %sub3A_115 = arith.subf %get3A_110, %get3A_114 : vector<16xf32>
      %abs3A_116 = math.absf %sub3A_115 : vector<16xf32>
      %add3A_117 = arith.addf %add3A_95, %abs3A_116 : vector<16xf32>
      %get3A_118 = arith.index_cast %scan3A_41 : i32 to index
      %get3A_119 = arith.constant 112 : index
      %get3A_120 = tpu.vector_load %arg8[%get3A_118, %get3A_119] {strides = array<i32>} : memref<16x128xf32, #tpu.memory_space<vmem>>, vector<1x16xf32>,
      %get3A_121 = vector.shape_cast %get3A_120 : vector<1x16xf32> to vector<16xf32>
      %get3A_122 = arith.index_cast %scan3A_41 : i32 to index
      %get3A_123 = arith.constant 112 : index
      %get3A_124 = tpu.vector_load %arg7[%get3A_122, %get3A_123] {strides = array<i32>} : memref<16x128xf32, #tpu.memory_space<vmem>>, vector<1x16xf32>,
      %get3A_125 = vector.shape_cast %get3A_124 : vector<1x16xf32> to vector<16xf32>
      %sub3A_126 = arith.subf %get3A_121, %get3A_125 : vector<16xf32>
      %abs3A_127 = math.absf %sub3A_126 : vector<16xf32>
      %add3A_128 = arith.addf %add3A_106, %abs3A_127 : vector<16xf32>
      scf.yield %add3A_117, %add3A_128 : vector<16xf32>, vector<16xf32>
    }
    %scan3A_34 = arith.constant 16 : i32
    %add3A_35 = arith.addf %scan3A_33#0, %scan3A_33#1 : vector<16xf32>
    %swap3A = arith.constant 0 : index
    %swap3A_36 = tpu.vector_load %arg9[%swap3A] {strides = array<i32>} : memref<16xf32, #tpu.memory_space<vmem>>, vector<16xf32>,
    %swap3A_37 = vector.shape_cast %swap3A_36 : vector<16xf32> to vector<16xf32>
    %swap3A_38 = vector.shape_cast %add3A_35 : vector<16xf32> to vector<16xf32>
    tpu.vector_store %arg9[%swap3A], %swap3A_38 {strides = array<i32>} : memref<16xf32, #tpu.memory_space<vmem>>, vector<16xf32>,
    %mul3A_39 = arith.constant 16 : i32
    %mul3A_40 = arith.muli %add3A, %mul3A_39 : i32
    "tpu.region"() ({
      %run_scoped3A = tpu.sem_alloc : memref<!tpu.dma_semaphore, #tpu.memory_space<semaphore_mem>>
      %dma_start3A_41 = tpu.memref_slice %arg5[%mul3A_40] : memref<512xf32, #tpu.memory_space<hbm>> -> memref<16xf32, #tpu.memory_space<hbm>>
      %dma_start3A_42 = tpu.memref_slice %arg5[%mul3A_40] : memref<512xf32, #tpu.memory_space<hbm>> -> memref<16xf32, #tpu.memory_space<hbm>>
      tpu.enqueue_dma source(%arg9 : memref<16xf32, #tpu.memory_space<vmem>>) target(%dma_start3A_42 : memref<16xf32, #tpu.memory_space<hbm>>) target_semaphore(%run_scoped3A : memref<!tpu.dma_semaphore, #tpu.memory_space<semaphore_mem>>)
      %dma_wait3A_43 = tpu.memref_slice %arg5[%mul3A_40] : memref<512xf32, #tpu.memory_space<hbm>> -> memref<16xf32, #tpu.memory_space<hbm>>
      %dma_wait3A_44 = tpu.memref_slice %arg5[%mul3A_40] : memref<512xf32, #tpu.memory_space<hbm>> -> memref<16xf32, #tpu.memory_space<hbm>>
      tpu.wait_dma2 semaphore(%run_scoped3A : memref<!tpu.dma_semaphore, #tpu.memory_space<semaphore_mem>>) src(%arg9 : memref<16xf32, #tpu.memory_space<vmem>>) dst(%dma_wait3A_44 : memref<16xf32, #tpu.memory_space<hbm>>)
      tpu.yield
    }) : () -> ()
    return
  }
}

</mosaic_0001>

<sc_bundles>
// kernel: kernel.3.cloned.1.call-start
scs
__scs_entry_jumppad:
0x0: {  	(pc) =	sbr.rel $0x88, $3  }
0x1: {  	(tag) =	ssettag $0x0;
	lr =	simm.s32 $0x1  }
0x2: {  	[smem:$0x3F9E] =	sst lr;
	_ =	strace $0xD0000000  }
0x3: {  	_ = 	snop  }
0x4: {  	_ = 	snop  }
0x5: {  	_ = 	snop  }
0x6: {  	_ = 	snop  }
0x7: {  	_ = 	snop  }
__scs_overlays_trampoline_lowered:
0x8: {  	[smem:$0x3FAD] =	sst s0  }
0x9: {  	[smem:$0x3FAE] =	sst s1  }
0xa: {  	[smem:$0x3FAF] =	sst s2  }
0xb: {  	[smem:$0x3FB0] =	sst s3  }
0xc: {  	[smem:$0x3FB1] =	sst s4  }
0xd: {  	[smem:$0x3FB2] =	sst s5  }
0xe: {  	[smem:$0x3FB3] =	sst s6  }
0xf: {  	[smem:$0x3FB4] =	sst s7  }
0x10: {  	[smem:$0x3FB5] =	sst s8  }
0x11: {  	[smem:$0x3FB6] =	sst s9;
	s0 =	simm.s32 @!p0 $0x0  }
0x12: {  	s1 =	sld [smem:$0x3F9C];
	s0 =	simm.s32 @p0 $0x1  }
0x13: {  	[smem:$0x3FB7] =	sst s0;
	s0 =	simm.s32 @!p1 $0x0  }
0x14: {  	s2 =	sld [smem:$0x3F9B];
	s0 =	simm.s32 @p1 $0x1  }
0x15: {  	[smem:$0x3FB8] =	sst s0;
	s0 =	simm.s32 @!p2 $0x0  }
0x16: {  	s3 =	sld [smem:$0x3FDB];
	s0 =	simm.s32 @p2 $0x1  }
0x17: {  	s4 =	simm.s32 $0x1BF5;
	[smem:$0x3FBA] =	sst s0  }
0x18: {  	s0 =	sld [smem:$0x3F9D];
	_ =	swait.ge [sflag:s4], $0x0  }
0x19: {  	s7 =	sld [smem:$0x3F9E]  }
0x1a: {  	s8 =	sadd.s32 $0xFFFFE003, lr  }
0x1b: {  	s9 =	sadd.s32 $0xFFFFFEF7, lr;
	s5 =	simm.s32 $0xFFFFFFFF;
	p2 =	slt.u32 s8, $0xFFFFF086  }
0x1c: {  	p1 =	slt.u32 s9, $0xF7A;
	s5 =	simm.s32 @!p2 $0x0  }
0x1d: {  	s5 =	simm.s32 @p1 $0x1;
	p0 =	seq.s32 s7, s2  }
0x1e: {  	s7 =	smul.u32 @!p0 $0xF7A, s2;
	p2 =	seq.s32 @!p0 s5, $0x0  }
0x1f: {  	s9 =	smul.u32 $0xF7A, s1;
	s8 =	simm.s32 @!p0 $0x1BF5;
	p2 =	por !p2, p0  }
0x20: {  	[sflag:s8] =	ssyncset.s32 @!p0 $0xFFFFF086;
	s6 =	sadd.s32 @!p0 s3, s7;
	s7 =	simm.s32 @!p0 $0x108  }
0x21: {  	s3 =	sadd.s32 s3, s9;
	s6 =	sadd.s32 @!p0 $0x88, s6;
	s7 =	simm.s32 @p2 $0x1082  }
0x22: {  	[simem:s7], [sflag:s8] =	dma.local @!p0 [hbm:s6], $0xF7A  }
0x23: {  	s9 =	sor.u32 $0xD0000000, s2;
	s6 =	simm.s32 $0x108;
	_ =	swait.ge @!p0 [sflag:s8], $0x0  }
0x24: {  	s3 =	sadd.s32 $0x88, s3;
	s6 =	simm.s32 @!p1 $0x1082;
	[sflag:s4] =	ssyncset.s32 $0xFFFFF086  }
0x25: {  	[simem:s6], [sflag:s4] =	dma.local [hbm:s3], $0xF7A  }
0x26: {  	[smem:$0x3F9E] =	sst s1;
	(tag) =	ssettag s2;
	_ =	strace s9  }
0x27: {  	s1 =	sld [smem:$0x3FAE]  }
0x28: {  	s2 =	sld [smem:$0x3FAF]  }
0x29: {  	s4 =	sld [smem:$0x3FB1]  }
0x2a: {  	p0 =	seq.s32 s5, $0x0;
	s5 =	sld [smem:$0x3FB2]  }
0x2b: {  	s6 =	sld [smem:$0x3FB3]  }
0x2c: {  	s7 =	sld [smem:$0x3FB4]  }
0x2d: {  	s3 =	simm.s32 $0x108;
	s8 =	sld [smem:$0x3FB5]  }
0x2e: {  	s3 =	simm.s32 @!p0 $0x1082;
	s9 =	sld [smem:$0x3FB6]  }
0x2f: {  	lr =	sadd.s32 s0, s3;
	s0 =	sld [smem:$0x3FAD]  }
0x30: {  	s3 =	sld [smem:$0x3FB0]  }
0x31: {  	[smem:$0x3FB9] =	sst s10  }
0x32: {  	s10 =	sld [smem:$0x3FB7];
	_ =	sdelay $0x3  }
0x33: {  	p0 =	seq.s32 s10, $0x1;
	s10 =	sld [smem:$0x3FB9];
	_ =	sdelay $0x3  }
0x34: {  	[smem:$0x3FB9] =	sst s10  }
0x35: {  	s10 =	sld [smem:$0x3FB8];
	_ =	sdelay $0x3  }
0x36: {  	p1 =	seq.s32 s10, $0x1;
	s10 =	sld [smem:$0x3FB9];
	_ =	sdelay $0x3  }
0x37: {  	[smem:$0x3FB9] =	sst s10  }
0x38: {  	s10 =	sld [smem:$0x3FBA]  }
0x39: {  	_ = 	snop;
	(pc) =	sbr.ind lr, $3  }
0x3a: {  	_ = 	snop  }
0x3b: {  	_ = 	snop  }
0x3c: {  	p2 =	seq.s32 s10, $0x1;
	s10 =	sld [smem:$0x3FB9]  }
0x3d: {  	_ =	shalt  }
0x3e: {  	_ =	shalt  }
0x3f: {  	_ =	shalt  }
0x40: {  	_ =	shalt  }
0x41: {  	_ =	shalt  }
0x42: {  	_ =	shalt  }
0x43: {  	_ =	shalt  }
0x44: {  	_ =	shalt  }
0x45: {  	_ =	shalt  }
0x46: {  	_ =	shalt  }
0x47: {  	_ =	shalt  }
0x48: {  	_ =	shalt  }
0x49: {  	_ =	shalt  }
0x4a: {  	_ =	shalt  }
0x4b: {  	_ =	shalt  }
0x4c: {  	_ =	shalt  }
0x4d: {  	_ =	shalt  }
0x4e: {  	_ =	shalt  }
0x4f: {  	_ =	shalt  }
0x50: {  	_ =	shalt  }
0x51: {  	_ =	shalt  }
0x52: {  	_ =	shalt  }
0x53: {  	_ =	shalt  }
0x54: {  	_ =	shalt  }
0x55: {  	_ =	shalt  }
0x56: {  	_ =	shalt  }
0x57: {  	_ =	shalt  }
0x58: {  	_ =	shalt  }
0x59: {  	_ =	shalt  }
0x5a: {  	_ =	shalt  }
0x5b: {  	_ =	shalt  }
0x5c: {  	_ =	shalt  }
0x5d: {  	_ =	shalt  }
0x5e: {  	_ =	shalt  }
0x5f: {  	_ =	shalt  }
0x60: {  	_ =	shalt  }
0x61: {  	_ =	shalt  }
0x62: {  	_ =	shalt  }
0x63: {  	_ =	shalt  }
0x64: {  	_ =	shalt  }
0x65: {  	_ =	shalt  }
0x66: {  	_ =	shalt  }
0x67: {  	_ =	shalt  }
0x68: {  	_ =	shalt  }
0x69: {  	_ =	shalt  }
0x6a: {  	_ =	shalt  }
0x6b: {  	_ =	shalt  }
0x6c: {  	_ =	shalt  }
0x6d: {  	_ =	shalt  }
0x6e: {  	_ =	shalt  }
0x6f: {  	_ =	shalt  }
0x70: {  	_ =	shalt  }
0x71: {  	_ =	shalt  }
0x72: {  	_ =	shalt  }
0x73: {  	_ =	shalt  }
0x74: {  	_ =	shalt  }
0x75: {  	_ =	shalt  }
0x76: {  	_ =	shalt  }
0x77: {  	_ =	shalt  }
0x78: {  	_ =	shalt  }
0x79: {  	_ =	shalt  }
0x7a: {  	_ =	shalt  }
0x7b: {  	_ =	shalt  }
0x7c: {  	_ =	shalt  }
0x7d: {  	_ =	shalt  }
0x7e: {  	_ =	shalt  }
0x7f: {  	_ =	shalt  }
0x80: {  	_ =	shalt  }
0x81: {  	_ =	shalt  }
0x82: {  	_ =	shalt  }
0x83: {  	_ =	shalt  }
0x84: {  	_ =	shalt  }
0x85: {  	_ =	shalt  }
0x86: {  	_ =	shalt  }
0x87: {  	_ =	shalt  }
.Lfunc_end0:
.L_simem_size_0:
called_computation_lowered:
.L_overlay_start_0:
0x88: {  	s2 =	sld [smem:$0x3FD9]  }
0x89: {  	s3 =	sld [smem:$0x3FFE];
	_ =	sdelay $0x1  }
0x8a: {  	s1 =	srdreg.scid  }
0x8b: {  	s0 =	sand.u32 $0x1, s1  }
0x8c: {  	s17 =	sshll.u32 s0, $0xA;
	s2 =	sadd.s32 s3, s2  }
0x8d: {  	s2 =	sadd.s32 s2, s17  }
0x8e: {  	[smem:$0x3FC5] =	sst s2  }
0x8f: {  	_ = 	snop  }
0x90: {  	s2 =	sld [smem:$0x3FC9]  }
0x91: {  	s18 =	sld [smem:$0x3FC7];
	(tm) =	ssettm $0x1  }
0x92: {  	s4 =	sld [smem:$0x3FFB];
	_ =	sdelay $0x3  }
0x93: {  	_ =	strace s4  }
0x94: {  	s4 =	sld [smem:$0x3FFC];
	_ =	sdelay $0x3  }
0x95: {  	_ =	strace s4  }
0x96: {  	s4 =	sld [smem:$0x3FFD];
	_ =	sdelay $0x3  }
0x97: {  	_ =	strace s4  }
0x98: {  	_ =	strace $0x8FFFFFFF  }
0x99: {  	s19 =	sld [smem:$0x3FDB];
	_ =	sdelay $0x1  }
0x9a: {  	s5 =	simm.s32 $_scs_section_size  }
0x9b: {  	s6 =	simm.s32 $_size__tile_overlayer_lowered;
	s7 =	simm.s32 $_tile_overlayer_lowered  }
0x9c: {  	s22 =	simm.s32 $0x1BFF;
	s21 =	sshll.u32 s7, $0x1;
	s4 =	sadd.s32 s5, s19  }
0x9d: {  	s8 =	simm.s32 $0x0;
	s20 =	sshll.u32 s6, $0x1;
	s6 =	sadd.s32 s21, s4  }
0x9e: {  	[timem:s8], [sflag:s22] =	dma.local [hbm:s6], s20  }
0x9f: {  	_ =	swait.ge [sflag:s22], s20  }
0xa0: {  	s5 =	ssub.s32 $0x0, s20;
	[sflag:s22] =	ssyncset.done $0x0  }
0xa1: {  	[sflag:s22] =	ssyncadd.s32 s5;
	_ =	sdelay $0x1  }
0xa2: {  	s23 =	simm.s32 $0x1B8B  }
0xa3: {  	_ =	swait.ge [sflag:s23], $0x1  }
0xa4: {  	[sflag:s23] =	ssyncset.done $0x0  }
0xa5: {  	s25 =	simm.s32 $0x1B8E;
	s24 =	sld [smem:$0x3FFE];
	[sflag:s23] =	ssyncadd.s32 $0xFFFFFFFF  }
0xa6: {  	s26 =	simm.s32 $execute0_lowered;
	[smem:$0x3FD2] =	sst s25  }
0xa7: {  	s6 =	sshll.u32 s26, $0x1;
	_ =	strace $0x80000046;
	[dreg:$0x1] =	wrdreg $0xFFFFFFFF  }
0xa8: {  	s28 =	simm.s32 $_size_execute0_lowered;
	s4 =	sadd.s32 s4, s6;
	[dreg:$0x0] =	wrdreg $0x0  }
0xa9: {  	s6 =	sshll.u32 s28, $0x1;
	[dreg:$0x2] =	wrdreg s4  }
0xaa: {  	[dreg:$0x3] =	wrdreg s6  }
0xab: {  	[dreg:$0x4] =	wrdreg $0xC0  }
0xac: {  	_ =	task [dreg:s8], $0x5FFFF  }
0xad: {  	[dreg:$0x1] =	wrdreg $0xFFFFFFFF  }
0xae: {  	[dreg:$0x0] =	wrdreg $0x60  }
0xaf: {  	[dreg:$0x2] =	wrdreg s2  }
0xb0: {  	[dreg:$0x3] =	wrdreg s24  }
0xb1: {  	[dreg:$0x4] =	wrdreg s18  }
0xb2: {  	[dreg:$0x5] =	wrdreg $0x9  }
0xb3: {  	_ =	task.clear_ibuf [dreg:s8], $0x6FFFF;
	_ =	strace $0x90000046  }
0xb4: {  	s29 =	simm.s32 $0x9;
	_ =	strace $0x80000048  }
0xb5: {  	_ =	swait.ge [sflag:s29], $0x1  }
0xb6: {  	[sflag:s29] =	ssyncadd.s32 $0xFFFFFFFF  }
0xb7: {  	_ =	strace $0x90000048  }
0xb8: {  	_ =	sfence  }
0xb9: {  	s30 =	sld [smem:$0x0];
	_ =	sdelay $0x2  }
0xba: {  	s31 =	sshll.u32 s1, $0xD;
	s1 =	sshrl.u32 s1, $0x2  }
0xbb: {  	s3 =	sand.u32 $0x4000, s31;
	s1 =	sadd.s32 s1, s30  }
0xbc: {  	s0 =	sor.u32 s3, s0;
	s1 =	sshll.u32 s1, $0x11  }
0xbd: {  	s0 =	sor.u32 s1, s0  }
0xbe: {  	s0 =	sadd.s32 $0x8F2B, s0  }
0xbf: {  	[sflag:s0] =	ssyncadd.remote.s32 $0x1  }
0xc0: {  	_ =	sfence.sel $0xFFFF  }
0xc1: {  	[dreg:$0x0] =	wrdreg $0xFFFFFFFF;
	(pc) =	sbr.abs _section_cstart, $3  }
0xc2: {  	[dreg:$0x1] =	wrdreg $0xFFFFFFFF  }
0xc3: {  	_ =	task.clear_ibuf [dreg:s8], $0x2FFFF;
	_ =	strace $0x9FFFFFFF  }
0xc4: {  	(tm) =	ssettm $0x7FFFFFFF  }
0xc5: {  	_ =	shalt  }
tec
execute0_lowered:
.L_overlay_start_1:
0x0: {  	(tag) =	ssettag $0x1  }
0x1: {  	s1 =	rddreg [dreg:$0x0]  }
0x2: {  	s0 =	rddreg [dreg:$0x1]  }
0x3: {  	s2 =	rddreg [dreg:$0x2]  }
0x4: {  	s3 =	simm.s32 $0x0;
	s4 =	srdreg.scid;
	s5 =	stileid.u32  }
0x5: {  	s9 =	simm.s32 $0x3;
	s10 =	simm.s32 $0x80;
	s24 =	simm.s32 $0x1380  }
0x6: {  	s25 =	simm.s32 $0x400;
	s28 =	simm.s32 $0x480;
	s29 =	simm.s32 $0x1480  }
0x7: {  	s30 =	simm.s32 $0x500;
	s31 =	simm.s32 $0x1500;
	s11 =	simm.s32 $0x1600  }
0x8: {  	s12 =	simm.s32 $0x680;
	s13 =	simm.s32 $0x1680;
	s14 =	simm.s32 $0x700  }
0x9: {  	s15 =	simm.s32 $0x1700;
	s16 =	simm.s32 $0x780;
	s17 =	simm.s32 $0x1780  }
0xa: {  	s18 =	simm.s32 $0x1;
	s19 =	simm.s32 $0x2;
	s20 =	simm.s32 $0x1800  }
0xb: {  	[smem:$0x7FF] =	sst s3;
	s4 =	sand.u32 $0x1, s4;
	s5 =	sshll.u32 s5, $0x1  }
0xc: {  	s21 =	simm.s32 $0x0;
	_ =	strace $0x80000047;
	s5 =	sor.u32 s4, s5  }
0xd: {  	s4 =	ssub.s32 $0x2, s4;
	s6 =	sshll.u32 s5, $0x8;
	s5 =	sshll.u32 s5, $0x1  }
0xe: {  	s26 =	sshrl.u32 s4, $0x1;
	s7 =	sadd.s32 s6, s0;
	s0 =	sadd.s32 s5, s0  }
0xf: {  	s8 =	ssub.s32 s4, s26;
	s4 =	sadd.s32 s2, s6;
	s26 =	simm.s32 $0x1400  }
0x10: {  	s2 =	simm.s32 $0x1580;
	s5 =	sadd.s32 $0x200, s7;
	s6 =	sadd.s32 $0x2200, s0  }
0x11: {  	s7 =	smax.u32 s8, $0x1;
	s0 =	simm.s32 $0x580;
	s8 =	simm.s32 $0x600  }
.LBB2_1:
0x12: {  	s22 =	simm.s32 $0x800  }
0x13: {  	[tilespmem:s22], [sflag:$0x1] =	stream.linear.gather [hbm4b:s4+s3], $0x800, $0x38;
	[tilespmem:$0x1880] =	vst v63  }
0x14: {  	_ = 	snop  }
0x15: {  	[tilespmem:s3], [sflag:$0x3] =	stream.linear.gather [hbm4b:s5+s3], $0x800, $0x38;
	[tilespmem:$0x1880] =	vst v63  }
0x16: {  	_ =	swait.ge [sflag:s9], $0x800  }
0x17: {  	[sflag:s9] =	ssyncset.done $0x0  }
0x18: {  	s23 =	simm.s32 $0x1000;
	[sflag:s9] =	ssyncadd.s32 $0xFFFFF800  }
0x19: {  	[tilespmem:s23], [sflag:$0x2] =	stream.indirect.gather [hbm4b:s1+s10], $0x1, s3, s10, $0xb8;
	[tilespmem:$0x1880] =	vst v63  }
0x1a: {  	s23 =	simm.s32 $0x1080  }
0x1b: {  	[tilespmem:s23], [sflag:$0x2] =	stream.indirect.gather [hbm4b:s1+s10], $0x1, s10, s10, $0xb8;
	[tilespmem:$0x1880] =	vst v63  }
0x1c: {  	s22 =	simm.s32 $0x100;
	s23 =	simm.s32 $0x1100  }
0x1d: {  	[tilespmem:s23], [sflag:$0x2] =	stream.indirect.gather [hbm4b:s1+s10], $0x1, s22, s10, $0xb8;
	[tilespmem:$0x1880] =	vst v63  }
0x1e: {  	s22 =	simm.s32 $0x180;
	s23 =	simm.s32 $0x1180  }
0x1f: {  	[tilespmem:s23], [sflag:$0x2] =	stream.indirect.gather [hbm4b:s1+s10], $0x1, s22, s10, $0xb8;
	[tilespmem:$0x1880] =	vst v63  }
0x20: {  	s22 =	simm.s32 $0x200;
	s23 =	simm.s32 $0x1200  }
0x21: {  	[tilespmem:s23], [sflag:$0x2] =	stream.indirect.gather [hbm4b:s1+s10], $0x1, s22, s10, $0xb8;
	[tilespmem:$0x1880] =	vst v63  }
0x22: {  	s22 =	simm.s32 $0x280;
	s23 =	simm.s32 $0x1280  }
0x23: {  	[tilespmem:s23], [sflag:$0x2] =	stream.indirect.gather [hbm4b:s1+s10], $0x1, s22, s10, $0xb8;
	[tilespmem:$0x1880] =	vst v63  }
0x24: {  	s22 =	simm.s32 $0x300;
	s23 =	simm.s32 $0x1300  }
0x25: {  	[tilespmem:s23], [sflag:$0x2] =	stream.indirect.gather [hbm4b:s1+s10], $0x1, s22, s10, $0xb8;
	[tilespmem:$0x1880] =	vst v63  }
0x26: {  	s23 =	simm.s32 $0x380  }
0x27: {  	[tilespmem:s24], [sflag:$0x2] =	stream.indirect.gather [hbm4b:s1+s10], $0x1, s23, s10, $0xb8;
	[tilespmem:$0x1880] =	vst v63  }
0x28: {  	_ = 	snop  }
0x29: {  	[tilespmem:s26], [sflag:$0x2] =	stream.indirect.gather [hbm4b:s1+s10], $0x1, s25, s10, $0xb8;
	[tilespmem:$0x1880] =	vst v63  }
0x2a: {  	_ = 	snop  }
0x2b: {  	[tilespmem:s29], [sflag:$0x2] =	stream.indirect.gather [hbm4b:s1+s10], $0x1, s28, s10, $0xb8;
	[tilespmem:$0x1880] =	vst v63  }
0x2c: {  	_ = 	snop  }
0x2d: {  	[tilespmem:s31], [sflag:$0x2] =	stream.indirect.gather [hbm4b:s1+s10], $0x1, s30, s10, $0xb8;
	[tilespmem:$0x1880] =	vst v63  }
0x2e: {  	_ = 	snop  }
0x2f: {  	[tilespmem:s2], [sflag:$0x2] =	stream.indirect.gather [hbm4b:s1+s10], $0x1, s0, s10, $0xb8;
	[tilespmem:$0x1880] =	vst v63  }
0x30: {  	_ = 	snop  }
0x31: {  	[tilespmem:s11], [sflag:$0x2] =	stream.indirect.gather [hbm4b:s1+s10], $0x1, s8, s10, $0xb8;
	[tilespmem:$0x1880] =	vst v63  }
0x32: {  	_ = 	snop  }
0x33: {  	[tilespmem:s13], [sflag:$0x2] =	stream.indirect.gather [hbm4b:s1+s10], $0x1, s12, s10, $0xb8;
	[tilespmem:$0x1880] =	vst v63  }
0x34: {  	_ = 	snop  }
0x35: {  	[tilespmem:s15], [sflag:$0x2] =	stream.indirect.gather [hbm4b:s1+s10], $0x1, s14, s10, $0xb8;
	[tilespmem:$0x1880] =	vst v63  }
0x36: {  	_ = 	snop  }
0x37: {  	[tilespmem:s17], [sflag:$0x2] =	stream.indirect.gather [hbm4b:s1+s10], $0x1, s16, s10, $0xb8;
	[tilespmem:$0x1880] =	vst v63  }
0x38: {  	_ =	swait.ge [sflag:s18], $0x800  }
0x39: {  	[sflag:s18] =	ssyncset.done $0x0  }
0x3a: {  	[sflag:s18] =	ssyncadd.s32 $0xFFFFF800  }
0x3b: {  	_ =	swait.ge [sflag:s19], $0x80  }
0x3c: {  	[sflag:s19] =	ssyncset.done $0x0  }
0x3d: {  	[sflag:s19] =	ssyncadd.s32 $0xFFFFFF80  }
0x3e: {  	_ =	swait.ge [sflag:s19], $0x80  }
0x3f: {  	[sflag:s19] =	ssyncset.done $0x0  }
0x40: {  	[sflag:s19] =	ssyncadd.s32 $0xFFFFFF80  }
0x41: {  	_ =	swait.ge [sflag:s19], $0x80  }
0x42: {  	[sflag:s19] =	ssyncset.done $0x0  }
0x43: {  	[sflag:s19] =	ssyncadd.s32 $0xFFFFFF80  }
0x44: {  	_ =	swait.ge [sflag:s19], $0x80  }
0x45: {  	[sflag:s19] =	ssyncset.done $0x0  }
0x46: {  	[sflag:s19] =	ssyncadd.s32 $0xFFFFFF80  }
0x47: {  	_ =	swait.ge [sflag:s19], $0x80  }
0x48: {  	[sflag:s19] =	ssyncset.done $0x0  }
0x49: {  	[sflag:s19] =	ssyncadd.s32 $0xFFFFFF80  }
0x4a: {  	_ =	swait.ge [sflag:s19], $0x80  }
0x4b: {  	[sflag:s19] =	ssyncset.done $0x0  }
0x4c: {  	[sflag:s19] =	ssyncadd.s32 $0xFFFFFF80  }
0x4d: {  	_ =	swait.ge [sflag:s19], $0x80  }
0x4e: {  	[sflag:s19] =	ssyncset.done $0x0  }
0x4f: {  	[sflag:s19] =	ssyncadd.s32 $0xFFFFFF80  }
0x50: {  	_ =	swait.ge [sflag:s19], $0x80  }
0x51: {  	[sflag:s19] =	ssyncset.done $0x0  }
0x52: {  	[sflag:s19] =	ssyncadd.s32 $0xFFFFFF80  }
0x53: {  	_ =	swait.ge [sflag:s19], $0x80  }
0x54: {  	[sflag:s19] =	ssyncset.done $0x0  }
0x55: {  	[sflag:s19] =	ssyncadd.s32 $0xFFFFFF80  }
0x56: {  	_ =	swait.ge [sflag:s19], $0x80  }
0x57: {  	[sflag:s19] =	ssyncset.done $0x0  }
0x58: {  	[sflag:s19] =	ssyncadd.s32 $0xFFFFFF80  }
0x59: {  	_ =	swait.ge [sflag:s19], $0x80  }
0x5a: {  	[sflag:s19] =	ssyncset.done $0x0  }
0x5b: {  	[sflag:s19] =	ssyncadd.s32 $0xFFFFFF80  }
0x5c: {  	_ =	swait.ge [sflag:s19], $0x80  }
0x5d: {  	[sflag:s19] =	ssyncset.done $0x0  }
0x5e: {  	[sflag:s19] =	ssyncadd.s32 $0xFFFFFF80  }
0x5f: {  	_ =	swait.ge [sflag:s19], $0x80  }
0x60: {  	[sflag:s19] =	ssyncset.done $0x0  }
0x61: {  	[sflag:s19] =	ssyncadd.s32 $0xFFFFFF80  }
0x62: {  	_ =	swait.ge [sflag:s19], $0x80  }
0x63: {  	[sflag:s19] =	ssyncset.done $0x0  }
0x64: {  	[sflag:s19] =	ssyncadd.s32 $0xFFFFFF80  }
0x65: {  	_ =	swait.ge [sflag:s19], $0x80  }
0x66: {  	[sflag:s19] =	ssyncset.done $0x0  }
0x67: {  	[sflag:s19] =	ssyncadd.s32 $0xFFFFFF80  }
0x68: {  	_ =	swait.ge [sflag:s19], $0x80  }
0x69: {  	[sflag:s19] =	ssyncset.done $0x0  }
0x6a: {  	s22 =	simm.s32 $0x0;
	[sflag:s19] =	ssyncadd.s32 $0xFFFFFF80  }
0x6b: {  	v1 =	vld [tilespmem:s22+$0x1060]  }
0x6c: {  	v3 =	vld [tilespmem:s22+$0x860]  }
0x6d: {  	v0 =	vld [tilespmem:s22+$0x1040]  }
0x6e: {  	v2 =	vld [tilespmem:s22+$0x840]  }
0x6f: {  	v4 =	vld [tilespmem:s22+$0x1020]  }
0x70: {  	v7 =	vld [tilespmem:s22+$0x820]  }
0x71: {  	v8 =	vld [tilespmem:s22+$0x1000]  }
0x72: {  	v9 =	vld [tilespmem:s22+$0x800]  }
0x73: {  	v5 =	vimm.f32 $0.0e+00;
	v6 =	vimm.f32 $0.0e+00;
	s23 =	simm.s32 $0x200;
	v10 =	vld [tilespmem:s22+$0x1010]  }
.LBB2_2:
0x74: {  	p0 =	sne.s32 s23, $0x1E00;
	v11 =	vld [tilespmem:s22+$0x810]  }
0x75: {  	v12 =	vld [tilespmem:s22+$0x1030]  }
0x76: {  	v13 =	vld [tilespmem:s22+$0x830]  }
0x77: {  	v14 =	vld [tilespmem:s22+$0x1050]  }
0x78: {  	v16 =	vsub.f32 v1, v3;
	v15 =	vld [tilespmem:s22+$0x850]  }
0x79: {  	v3 =	vsub.f32 v8, v9;
	v8 =	vsub.f32 v10, v11;
	v9 =	vld [tilespmem:s22+$0x1070]  }
0x7a: {  	v4 =	vsub.f32 v4, v7;
	v7 =	vsub.f32 v0, v2;
	v10 =	vld [tilespmem:s22+$0x870];
	s22 =	sshra.s32 s23, $0x2  }
0x7b: {  	v0 =	vand.u32 $0x7FFFFFFF, v3;
	v1 =	vld [tilespmem:s22+$0x1060];
	v2 =	vand.u32 $0x7FFFFFFF, v8;
	v8 =	vsub.f32 v12, v13  }
0x7c: {  	v5 =	vadd.f32 v0, v5;
	v3 =	vld [tilespmem:s22+$0x860];
	v6 =	vadd.f32 v2, v6  }
0x7d: {  	v4 =	vand.u32 $0x7FFFFFFF, v4;
	v0 =	vld [tilespmem:s22+$0x1040];
	v8 =	vand.u32 $0x7FFFFFFF, v8;
	v11 =	vsub.f32 v14, v15  }
0x7e: {  	v5 =	vadd.f32 v4, v5;
	v2 =	vld [tilespmem:s22+$0x840];
	v6 =	vadd.f32 v8, v6  }
.Ltmp0:
0x7f: {  	v8 =	vand.u32 $0x7FFFFFFF, v7;
	v4 =	vld [tilespmem:s22+$0x1020];
	v11 =	vand.u32 $0x7FFFFFFF, v11;
	v9 =	vsub.f32 v9, v10;
	(pc) =	sbr.rel @p0 .LBB2_2-.Ltmp0, $4  }
0x80: {  	v5 =	vadd.f32 v8, v5;
	v7 =	vld [tilespmem:s22+$0x820];
	v6 =	vadd.f32 v11, v6  }
0x81: {  	v10 =	vand.u32 $0x7FFFFFFF, v16;
	v8 =	vld [tilespmem:s22+$0x1000];
	v11 =	vand.u32 $0x7FFFFFFF, v9  }
0x82: {  	v5 =	vadd.f32 v10, v5;
	v9 =	vld [tilespmem:s22+$0x800];
	v6 =	vadd.f32 v11, v6  }
0x83: {  	s23 =	sadd.s32 $0x200, s23;
	v10 =	vld [tilespmem:s22+$0x1010]  }
0x84: {  	v11 =	vld [tilespmem:s22+$0x810]  }
0x85: {  	v12 =	vld [tilespmem:s22+$0x1030]  }
0x86: {  	v13 =	vld [tilespmem:s22+$0x830]  }
0x87: {  	v14 =	vld [tilespmem:s22+$0x1050]  }
0x88: {  	v15 =	vld [tilespmem:s22+$0x850];
	v1 =	vsub.f32 v1, v3  }
0x89: {  	v53 =	vld [tilespmem:s22+$0x1070];
	v51 =	vsub.f32 v8, v9;
	v52 =	vsub.f32 v10, v11  }
0x8a: {  	v0 =	vsub.f32 v0, v2;
	v54 =	vld [tilespmem:s22+$0x870];
	v4 =	vsub.f32 v4, v7  }
0x8b: {  	v3 =	vand.u32 $0x7FFFFFFF, v51;
	v56 =	vsub.f32 v12, v13;
	v55 =	vand.u32 $0x7FFFFFFF, v52  }
0x8c: {  	v3 =	vadd.f32 v3, v5;
	v57 =	vadd.f32 v55, v6  }
0x8d: {  	v4 =	vand.u32 $0x7FFFFFFF, v4;
	v59 =	vsub.f32 v14, v15;
	v58 =	vand.u32 $0x7FFFFFFF, v56  }
0x8e: {  	v3 =	vadd.f32 v4, v3;
	v60 =	vadd.f32 v58, v57  }
0x8f: {  	v0 =	vand.u32 $0x7FFFFFFF, v0;
	v2 =	vsub.f32 v53, v54;
	v61 =	vand.u32 $0x7FFFFFFF, v59  }
0x90: {  	v0 =	vadd.f32 v0, v3;
	v62 =	vadd.f32 v61, v60  }
0x91: {  	v1 =	vand.u32 $0x7FFFFFFF, v1;
	v2 =	vand.u32 $0x7FFFFFFF, v2  }
0x92: {  	v0 =	vadd.f32 v1, v0;
	v63 =	vadd.f32 v2, v62;
	_ =	sdelay $0x1  }
0x93: {  	s21 =	sadd.s32 $0x1, s21;
	v0 =	vadd.f32 v63, v0  }
0x94: {  	p0 =	sne.s32 s21, s7  }
.Ltmp1:
0x95: {  	[tilespmem:$0x1800] =	vst v0;
	(pc) =	sbr.rel @p0 .LBB2_1-.Ltmp1, $4  }
0x96: {  	[hbm4b:s6+s3] =	stream.linear.scatter [tilespmem:s20], [sflag:$0x3], $0x10, $0x38;
	[tilespmem:$0x1880] =	vst v63  }
0x97: {  	_ =	swait.ge [sflag:s9], $0x10  }
0x98: {  	[sflag:s9] =	ssyncset.done $0x0  }
0x99: {  	[sflag:s9] =	ssyncadd.s32 $0xFFFFFFF0  }
0x9a: {  	_ =	sfence.sel $0x180000  }
0x9b: {  	[bflag:$0x0] =	sbarrier.arrive $0xFFFF  }
0x9c: {  	_ =	strace $0x90000047  }
0x9d: {  	s0 =	stileid.u32;
	[bflag:$0x2] =	sbarrier.arrive $0xFFFF  }
0x9e: {  	p0 =	sne.s32 s0, $0x0;
	s0 =	rddreg [dreg:$0x3]  }
0x9f: {  	s0 =	sadd.s32 @!p0 $0x100000, s0  }
0xa0: {  	[sflag:s0] =	ssyncadd.tile.s32 @!p0 $0x1;
	_ =	shalt  }
.Lfunc_end2:
_tile_overlayer_lowered:
.L_overlay_start_2:
0xa1: {  	(tag) =	ssettag $0x2  }
0xa2: {  	s0 =	rddreg [dreg:$0x0];
	s2 =	stileid.u32  }
0xa3: {  	s1 =	rddreg [dreg:$0x1];
	p0 =	sne.s32 s2, $0x0  }
0xa4: {  	s3 =	rddreg [dreg:$0x2];
	[bflag:$0x3] =	sbarrier.arrive $0xFFFF;
	s2 =	simm.s32 @!p0 $0x1C03  }
0xa5: {  	[timem:s3], [sflag:s2] =	dma.local @!p0 [hbm:s0], s1  }
0xa6: {  	s0 =	simm.s32 @!p0 $0x3  }
0xa7: {  	_ =	swait.ge @!p0 [sflag:s0], s1  }
0xa8: {  	s1 =	ssub.s32 @!p0 $0x0, s1;
	[sflag:s0] =	ssyncset.done @!p0 $0x0  }
0xa9: {  	[sflag:s0] =	ssyncadd.s32 @!p0 s1  }
0xaa: {  	[bflag:$0x3] =	sbarrier.arrive $0xFFFF  }
0xab: {  	_ =	shalt  }

</sc_bundles>
